<compile_context>
chip_gen: v7x
topology: tpu7x:2x2x1
jax: 0.10.2.dev20260603
libtpu: 0.0.44.dev20260713+nightly
codegen_flags: <defaults>
</compile_context>

<pallas_src>
import functools

import jax
import jax.numpy as jnp
from jax import lax
from jax.experimental import pallas as pl
from jax.experimental.pallas import tpu as pltpu
from jax.experimental.pallas import tpu_sc as plsc

_K = 8192
_D = 32
_N = 8192
_RB = 512

_NC, _NS, _L = 2, 16, 16
_NW = _NC * _NS
_BPW = _N // _NW


_W = 2048


def _argmin_body(x_ref, cbt_ref, xsq_ref, csq_ref, col_ref, idx_ref):
    x = x_ref[...]
    cbt = cbt_ref[...]
    m2 = jnp.dot(x + x, cbt, preferred_element_type=jnp.float32)
    d = (xsq_ref[...] - m2) + csq_ref[...]
    bv = None
    for w in range(_K // _W):
        dw = d[:, w * _W:(w + 1) * _W]
        mv = jnp.min(dw, axis=1)
        col = col_ref[:, w * _W:(w + 1) * _W]
        iw = jnp.min(jnp.where(dw == mv[:, None], col, jnp.float32(2.0 * _K)), axis=1)
        if bv is None:
            bv = mv.astype(jnp.bfloat16).astype(jnp.float32)
            bi = iw
        else:
            take = (mv < bv) | ((mv == bv) & (iw < bi))
            bv = jnp.where(take, mv, bv).astype(jnp.bfloat16).astype(jnp.float32)
            bi = jnp.where(take, iw, bi)
    idx_ref[...] = bi.astype(jnp.int32)


def _argmin_call(flat, cbt, xsq, csq, col):
    return pl.pallas_call(
        _argmin_body,
        grid=(_N // _RB,),
        in_specs=[
            pl.BlockSpec((_RB, _D), lambda i: (i, 0)),
            pl.BlockSpec((_D, _K), lambda i: (0, 0)),
            pl.BlockSpec((_RB, 1), lambda i: (i, 0)),
            pl.BlockSpec((1, _K), lambda i: (0, 0)),
            pl.BlockSpec((1, _K), lambda i: (0, 0)),
        ],
        out_specs=pl.BlockSpec((_RB,), lambda i: (i,)),
        out_shape=jax.ShapeDtypeStruct((_N,), jnp.int32),
    )(flat, cbt, xsq, csq, col)


def _sc_call(codebook, idx):
    mesh = plsc.VectorSubcoreMesh(core_axis_name="c", subcore_axis_name="s")

    @functools.partial(
        pl.kernel,
        mesh=mesh,
        out_type=[
            jax.ShapeDtypeStruct((_N, _D), jnp.float32),
            jax.ShapeDtypeStruct((_NW, _K), jnp.float32),
        ],
        scratch_types=[
            pltpu.VMEM((_BPW,), jnp.int32),
            pltpu.VMEM((_BPW, _D), jnp.float32),
            pltpu.VMEM((_K,), jnp.float32),
            pltpu.SemaphoreType.DMA,
        ],
        compiler_params=pltpu.CompilerParams(
            needs_layout_passes=False, use_tc_tiling_on_sc=False
        ),
    )
    def sc(cb_hbm, idx_hbm, codes_hbm, hist_hbm, idx_v, rows_v, hist_v, sem):
        wid = lax.axis_index("s") * _NC + lax.axis_index("c")
        base = wid * _BPW
        pltpu.sync_copy(idx_hbm.at[pl.ds(base, _BPW)], idx_v)
        pltpu.async_copy(cb_hbm.at[idx_v], rows_v, sem).wait()
        pltpu.sync_copy(rows_v, codes_hbm.at[pl.ds(base, _BPW)])

        zero16 = jnp.zeros((_L,), jnp.float32)

        def _zero(i, carry):
            hist_v[pl.ds(i * _L, _L)] = zero16
            return carry

        lax.fori_loop(0, _K // _L, _zero, 0)

        one16 = jnp.ones((_L,), jnp.float32)

        def _acc(j, carry):
            idx16 = idx_v[pl.ds(j * _L, _L)]
            plsc.addupdate_scatter(hist_v, [idx16], one16)
            return carry

        lax.fori_loop(0, _BPW // _L, _acc, 0)
        pltpu.sync_copy(hist_v, hist_hbm.at[wid])

    return sc(codebook, idx)


def _finalize_body(x_ref, c_ref, hist_ref, qst_ref, loss_ref, ppl_ref):
    x = x_ref[...]
    c = c_ref[...]
    qst_ref[...] = x + (c - x)
    diff = c - x
    loss_ref[0, 0] = 0.25 * (jnp.sum(diff * diff) / float(_N * _D))
    counts = jnp.sum(hist_ref[...], axis=0)
    p = counts * (1.0 / _N)
    ent = jnp.sum(p * jnp.log(p + 1e-10))
    ppl_ref[0, 0] = jnp.exp(-ent)


def _finalize_call(flat, codes, hist):
    return pl.pallas_call(
        _finalize_body,
        out_shape=[
            jax.ShapeDtypeStruct((_N, _D), jnp.float32),
            jax.ShapeDtypeStruct((1, 1), jnp.float32),
            jax.ShapeDtypeStruct((1, 1), jnp.float32),
        ],
        out_specs=[
            pl.BlockSpec(memory_space=pltpu.VMEM),
            pl.BlockSpec(memory_space=pltpu.SMEM),
            pl.BlockSpec(memory_space=pltpu.SMEM),
        ],
    )(flat, codes, hist)


def kernel(inputs, codebook):
    shape = inputs.shape
    flat = inputs.reshape(-1, shape[-1])
    cbt = codebook.T
    xsq = jnp.sum(flat**2, axis=-1, keepdims=True)
    csq = jnp.sum(codebook**2, axis=-1)[None, :]
    col = lax.iota(jnp.float32, _K)[None, :]
    idx = _argmin_call(flat, cbt, xsq, csq, col)
    codes, hist = _sc_call(codebook, idx)
    qst, loss, ppl = _finalize_call(flat, codes, hist)
    return qst.reshape(shape), loss[0, 0], ppl[0, 0]

# --- scband reference (transcript-rebuilt; emitter-appended) ---
"""Pipeline reference for scband-vector-quantize-ema-68289980006517 (READ-ONLY COPY).

The authoritative reference and input builder live on the scoring server;
editing this copy changes nothing except your own understanding.
"""

import jax, jax.numpy as jnp
import numpy as np

CODEBOOK_SIZE = 8192
CODEBOOK_DIM = 32
COMMITMENT_COST = 0.25


def setup_inputs(seed: int = 0) -> dict:
    key = jax.random.key(seed)
    k1, k2 = jax.random.split(key)
    inputs = jax.random.normal(k1, (8, 1024, CODEBOOK_DIM), dtype=jnp.float32)
    # codebook initialized uniform(-1/K, 1/K) as in torch module
    codebook = jax.random.uniform(k2, (CODEBOOK_SIZE, CODEBOOK_DIM), dtype=jnp.float32,
                                  minval=-1.0 / CODEBOOK_SIZE, maxval=1.0 / CODEBOOK_SIZE)
    return {"inputs": inputs, "codebook": codebook}


def reference(inputs, codebook):
    original_shape = inputs.shape
    flat_inputs = inputs.reshape(-1, original_shape[-1])
    # squared euclidean distances: ||x||^2 - 2 x.c + ||c||^2
    distances = (jnp.sum(flat_inputs ** 2, axis=-1, keepdims=True)
                 - 2.0 * flat_inputs @ codebook.T
                 + jnp.sum(codebook ** 2, axis=-1)[None, :])
    codebook_indices = jnp.argmin(distances, axis=-1)
    codes = jnp.take(codebook, codebook_indices, axis=0)
    quantize = codes.reshape(original_shape)
    commitment_loss = jnp.mean((jax.lax.stop_gradient(quantize) - inputs) ** 2)
    loss = COMMITMENT_COST * commitment_loss
    one_hot_codes = jax.nn.one_hot(codebook_indices, CODEBOOK_SIZE, dtype=inputs.dtype)
    # straight-through estimator
    quantize_st = inputs + jax.lax.stop_gradient(quantize - inputs)
    avg_probs = jnp.mean(one_hot_codes, axis=0)
    perplexity = jnp.exp(-jnp.sum(avg_probs * jnp.log(avg_probs + 1e-10)))
    return quantize_st, loss, perplexity

if __name__ == "__main__":
    import jax
    _d = setup_inputs()
    print(jax.jit(kernel)(*tuple(_d.values())))

</pallas_src>

<mosaic_0001>
#map = affine_map<(d0, d1) -> (0, 0)>
#map1 = affine_map<(d0, d1) -> (0)>
module attributes {stable_mosaic.version = 14 : i64} {
  func.func @sc(%arg0: i32, %arg1: i32, %arg2: memref<8192x32xf32, #tpu.memory_space<hbm>>, %arg3: memref<8192xi32, #tpu.memory_space<hbm>>, %arg4: memref<8192x32xf32, #tpu.memory_space<hbm>>, %arg5: memref<32x8192xf32, #tpu.memory_space<hbm>>, %arg6: memref<256xi32, #tpu.memory_space<vmem>>, %arg7: memref<256x32xf32, #tpu.memory_space<vmem>>, %arg8: memref<8192xf32, #tpu.memory_space<vmem>>, %arg9: memref<!tpu.dma_semaphore, #tpu.memory_space<semaphore_mem>>) attributes {dimension_semantics = [#tpu.dimension_semantics<core_parallel>, #tpu.dimension_semantics<subcore_parallel>], iteration_bounds = array<i64: 2, 16>, scalar_prefetch = 0 : i64, scratch_operands = 4 : i64, tpu.core_type = #tpu.core_type<sc_vector_subcore>, window_params = [{transform_indices = #map}, {transform_indices = #map1}, {transform_indices = #map}, {transform_indices = #map}]} {
    %mul3A = arith.constant 2 : i32
    %mul3A_0 = arith.muli %arg1, %mul3A : i32
    %add3A = arith.addi %mul3A_0, %arg0 : i32
    %mul3A_1 = arith.constant 256 : i32
    %mul3A_2 = arith.muli %add3A, %mul3A_1 : i32
    "tpu.region"() ({
      %run_scoped3A = tpu.sem_alloc : memref<!tpu.dma_semaphore, #tpu.memory_space<semaphore_mem>>
      %dma_start3A_21 = tpu.memref_slice %arg3[%mul3A_2] : memref<8192xi32, #tpu.memory_space<hbm>> -> memref<256xi32, #tpu.memory_space<hbm>>
      %dma_start3A_22 = tpu.memref_slice %arg3[%mul3A_2] : memref<8192xi32, #tpu.memory_space<hbm>> -> memref<256xi32, #tpu.memory_space<hbm>>
      tpu.enqueue_dma source(%dma_start3A_22 : memref<256xi32, #tpu.memory_space<hbm>>) target(%arg6 : memref<256xi32, #tpu.memory_space<vmem>>) target_semaphore(%run_scoped3A : memref<!tpu.dma_semaphore, #tpu.memory_space<semaphore_mem>>)
      %dma_wait3A_23 = tpu.memref_slice %arg3[%mul3A_2] : memref<8192xi32, #tpu.memory_space<hbm>> -> memref<256xi32, #tpu.memory_space<hbm>>
      %dma_wait3A_24 = tpu.memref_slice %arg3[%mul3A_2] : memref<8192xi32, #tpu.memory_space<hbm>> -> memref<256xi32, #tpu.memory_space<hbm>>
      tpu.wait_dma2 semaphore(%run_scoped3A : memref<!tpu.dma_semaphore, #tpu.memory_space<semaphore_mem>>) src(%dma_wait3A_24 : memref<256xi32, #tpu.memory_space<hbm>>) dst(%arg6 : memref<256xi32, #tpu.memory_space<vmem>>)
      tpu.yield
    }) : () -> ()
    %dma_start3A = arith.constant 0 : i32
    %dma_start3A_3 = arith.constant 0 : i32
    %dma_start3A_4 = tpu.memref_slice %arg2[%dma_start3A, %dma_start3A_3] : memref<8192x32xf32, #tpu.memory_space<hbm>> -> memref<8192x32xf32, #tpu.memory_space<hbm>>
    tpu.enqueue_indirect_dma source(%dma_start3A_4 : memref<8192x32xf32, #tpu.memory_space<hbm>>) target(%arg7 : memref<256x32xf32, #tpu.memory_space<vmem>>) offsets(%arg6 : memref<256xi32, #tpu.memory_space<vmem>>) semaphore(%arg9 : memref<!tpu.dma_semaphore, #tpu.memory_space<semaphore_mem>>)
    %dma_wait3A = arith.constant 0 : i32
    %dma_wait3A_5 = arith.constant 0 : i32
    %dma_wait3A_6 = tpu.memref_slice %arg2[%dma_wait3A, %dma_wait3A_5] : memref<8192x32xf32, #tpu.memory_space<hbm>> -> memref<8192x32xf32, #tpu.memory_space<hbm>>
    tpu.wait_indirect_dma semaphore(%arg9 : memref<!tpu.dma_semaphore, #tpu.memory_space<semaphore_mem>>) src(%dma_wait3A_6 : memref<8192x32xf32, #tpu.memory_space<hbm>>) dst(%arg7 : memref<256x32xf32, #tpu.memory_space<vmem>>)
    "tpu.region"() ({
      %run_scoped3A = tpu.sem_alloc : memref<!tpu.dma_semaphore, #tpu.memory_space<semaphore_mem>>
      %dma_start3A_21 = arith.constant 0 : i32
      %dma_start3A_22 = tpu.memref_slice %arg4[%mul3A_2, %dma_start3A_21] : memref<8192x32xf32, #tpu.memory_space<hbm>> -> memref<256x32xf32, #tpu.memory_space<hbm>>
      %dma_start3A_23 = arith.constant 0 : i32
      %dma_start3A_24 = tpu.memref_slice %arg4[%mul3A_2, %dma_start3A_23] : memref<8192x32xf32, #tpu.memory_space<hbm>> -> memref<256x32xf32, #tpu.memory_space<hbm>>
      tpu.enqueue_dma source(%arg7 : memref<256x32xf32, #tpu.memory_space<vmem>>) target(%dma_start3A_24 : memref<256x32xf32, #tpu.memory_space<hbm>>) target_semaphore(%run_scoped3A : memref<!tpu.dma_semaphore, #tpu.memory_space<semaphore_mem>>)
      %dma_wait3A_25 = arith.constant 0 : i32
      %dma_wait3A_26 = tpu.memref_slice %arg4[%mul3A_2, %dma_wait3A_25] : memref<8192x32xf32, #tpu.memory_space<hbm>> -> memref<256x32xf32, #tpu.memory_space<hbm>>
      %dma_wait3A_27 = arith.constant 0 : i32
      %dma_wait3A_28 = tpu.memref_slice %arg4[%mul3A_2, %dma_wait3A_27] : memref<8192x32xf32, #tpu.memory_space<hbm>> -> memref<256x32xf32, #tpu.memory_space<hbm>>
      tpu.wait_dma2 semaphore(%run_scoped3A : memref<!tpu.dma_semaphore, #tpu.memory_space<semaphore_mem>>) src(%arg7 : memref<256x32xf32, #tpu.memory_space<vmem>>) dst(%dma_wait3A_28 : memref<256x32xf32, #tpu.memory_space<hbm>>)
      tpu.yield
    }) : () -> ()
    %broadcast_in_dim3A = arith.constant 0.000000e+00 : f32
    %broadcast_in_dim3A_7 = vector.broadcast %broadcast_in_dim3A : f32 to vector<16xf32>
    %scan3A = arith.constant 0 : i32
    %scan3A_8 = arith.constant 0 : i32
    %scan3A_9 = arith.constant 512 : i32
    %scan3A_10 = arith.addi %scan3A_8, %scan3A_9 : i32
    %scan3A_11 = arith.constant 1 : i32
    scf.for %scan3A_21 = %scan3A_8 to %scan3A_10 step %scan3A_11  : i32 {
      %mul3A_22 = arith.constant 16 : i32
      %mul3A_23 = arith.muli %scan3A_21, %mul3A_22 : i32
      %swap3A = arith.index_cast %mul3A_23 : i32 to index
      %swap3A_24 = tpu.vector_load %arg8[%swap3A] {strides = array<i32>} : memref<8192xf32, #tpu.memory_space<vmem>>, vector<16xf32>,
      tpu.vector_store %arg8[%swap3A], %broadcast_in_dim3A_7 {strides = array<i32>} : memref<8192xf32, #tpu.memory_space<vmem>>, vector<16xf32>,
    }
    %scan3A_12 = arith.constant 512 : i32
    %broadcast_in_dim3A_13 = arith.constant 1.000000e+00 : f32
    %broadcast_in_dim3A_14 = vector.broadcast %broadcast_in_dim3A_13 : f32 to vector<16xf32>
    %scan3A_15 = arith.constant 0 : i32
    %scan3A_16 = arith.constant 0 : i32
    %scan3A_17 = arith.constant 16 : i32
    %scan3A_18 = arith.addi %scan3A_16, %scan3A_17 : i32
    %scan3A_19 = arith.constant 1 : i32
    scf.for %scan3A_21 = %scan3A_16 to %scan3A_18 step %scan3A_19  : i32 {
      %mul3A_22 = arith.constant 16 : i32
      %mul3A_23 = arith.muli %scan3A_21, %mul3A_22 : i32
      %get3A = arith.index_cast %mul3A_23 : i32 to index
      %get3A_24 = tpu.vector_load %arg6[%get3A] {strides = array<i32>} : memref<256xi32, #tpu.memory_space<vmem>>, vector<16xi32>,
      tpu.vector_store_idx %arg8[%get3A_24], %broadcast_in_dim3A_14 {add = true} : memref<8192xf32, #tpu.memory_space<vmem>>[vector<16xi32>], vector<16xf32>,
    }
    %scan3A_20 = arith.constant 16 : i32
    "tpu.region"() ({
      %run_scoped3A = tpu.sem_alloc : memref<!tpu.dma_semaphore, #tpu.memory_space<semaphore_mem>>
      %dma_start3A_21 = arith.constant 0 : i32
      %dma_start3A_22 = tpu.memref_slice %arg5[%add3A, %dma_start3A_21] : memref<32x8192xf32, #tpu.memory_space<hbm>> -> memref<1x8192xf32, #tpu.memory_space<hbm>>
      %dma_start3A_23 = tpu.memref_squeeze %dma_start3A_22 : memref<1x8192xf32, #tpu.memory_space<hbm>> -> memref<8192xf32, #tpu.memory_space<hbm>>
      %dma_start3A_24 = arith.constant 0 : i32
      %dma_start3A_25 = tpu.memref_slice %arg5[%add3A, %dma_start3A_24] : memref<32x8192xf32, #tpu.memory_space<hbm>> -> memref<1x8192xf32, #tpu.memory_space<hbm>>
      %dma_start3A_26 = tpu.memref_squeeze %dma_start3A_25 : memref<1x8192xf32, #tpu.memory_space<hbm>> -> memref<8192xf32, #tpu.memory_space<hbm>>
      tpu.enqueue_dma source(%arg8 : memref<8192xf32, #tpu.memory_space<vmem>>) target(%dma_start3A_26 : memref<8192xf32, #tpu.memory_space<hbm>>) target_semaphore(%run_scoped3A : memref<!tpu.dma_semaphore, #tpu.memory_space<semaphore_mem>>)
      %dma_wait3A_27 = arith.constant 0 : i32
      %dma_wait3A_28 = tpu.memref_slice %arg5[%add3A, %dma_wait3A_27] : memref<32x8192xf32, #tpu.memory_space<hbm>> -> memref<1x8192xf32, #tpu.memory_space<hbm>>
      %dma_wait3A_29 = tpu.memref_squeeze %dma_wait3A_28 : memref<1x8192xf32, #tpu.memory_space<hbm>> -> memref<8192xf32, #tpu.memory_space<hbm>>
      %dma_wait3A_30 = arith.constant 0 : i32
      %dma_wait3A_31 = tpu.memref_slice %arg5[%add3A, %dma_wait3A_30] : memref<32x8192xf32, #tpu.memory_space<hbm>> -> memref<1x8192xf32, #tpu.memory_space<hbm>>
      %dma_wait3A_32 = tpu.memref_squeeze %dma_wait3A_31 : memref<1x8192xf32, #tpu.memory_space<hbm>> -> memref<8192xf32, #tpu.memory_space<hbm>>
      tpu.wait_dma2 semaphore(%run_scoped3A : memref<!tpu.dma_semaphore, #tpu.memory_space<semaphore_mem>>) src(%arg8 : memref<8192xf32, #tpu.memory_space<vmem>>) dst(%dma_wait3A_32 : memref<8192xf32, #tpu.memory_space<hbm>>)
      tpu.yield
    }) : () -> ()
    return
  }
}

module attributes {stable_mosaic.version = 14 : i64} {
  func.func @_argmin_body(%arg0: i32, %arg1: memref<512x32xf32, #tpu.memory_space<vmem>>, %arg2: memref<32x8192xf32, #tpu.memory_space<vmem>>, %arg3: memref<512x1xf32, #tpu.memory_space<vmem>>, %arg4: memref<1x8192xf32, #tpu.memory_space<vmem>>, %arg5: memref<1x8192xf32, #tpu.memory_space<vmem>>, %arg6: memref<512xi32, #tpu.memory_space<vmem>>) attributes {dimension_semantics = [#tpu.dimension_semantics<arbitrary>], iteration_bounds = array<i64: 16>, scalar_prefetch = 0 : i64, scratch_operands = 0 : i64, tpu.core_type = #tpu.core_type<tc>, window_params = [{transform_indices = @transform_0, window_bounds = array<i64: 512, 32>}, {pipeline_mode = #tpu.pipeline_mode<synchronous>, transform_indices = @transform_1, window_bounds = array<i64: 32, 8192>}, {transform_indices = @transform_2, window_bounds = array<i64: 512, 1>}, {pipeline_mode = #tpu.pipeline_mode<synchronous>, transform_indices = @transform_3, window_bounds = array<i64: 1, 8192>}, {pipeline_mode = #tpu.pipeline_mode<synchronous>, transform_indices = @transform_4, window_bounds = array<i64: 1, 8192>}, {transform_indices = @transform_5, window_bounds = array<i64: 512>}]} {
    %get3A = arith.constant 0 : index
    %get3A_0 = arith.constant 0 : index
    %get3A_1 = vector.load %arg1[%get3A, %get3A_0] : memref<512x32xf32, #tpu.memory_space<vmem>>, vector<512x32xf32>
    %get3A_2 = arith.constant 0 : index
    %get3A_3 = arith.constant 0 : index
    %get3A_4 = vector.load %arg2[%get3A_2, %get3A_3] : memref<32x8192xf32, #tpu.memory_space<vmem>>, vector<32x8192xf32>
    %add3A = arith.addf %get3A_1, %get3A_1 : vector<512x32xf32>
    %dot_general3A = arith.constant dense<0.000000e+00> : vector<512x8192xf32>
    %dot_general3A_5 = tpu.matmul %add3A, %get3A_4, %dot_general3A {dimension_numbers = #tpu.dot_dimension_numbers<[1], [0], [0], [1], [0, 0, 1, 1], [], []>, transpose_lhs_hint = false} : vector<512x32xf32>, vector<32x8192xf32>, vector<512x8192xf32> -> vector<512x8192xf32>
    %get3A_6 = arith.constant 0 : index
    %get3A_7 = arith.constant 0 : index
    %get3A_8 = vector.load %arg3[%get3A_6, %get3A_7] : memref<512x1xf32, #tpu.memory_space<vmem>>, vector<512x1xf32>
    %sub3A = vector.broadcast %get3A_8 : vector<512x1xf32> to vector<512x8192xf32>
    %sub3A_9 = arith.subf %sub3A, %dot_general3A_5 : vector<512x8192xf32>
    %get3A_10 = arith.constant 0 : index
    %get3A_11 = arith.constant 0 : index
    %get3A_12 = vector.load %arg4[%get3A_10, %get3A_11] : memref<1x8192xf32, #tpu.memory_space<vmem>>, vector<1x8192xf32>
    %add3A_13 = vector.broadcast %get3A_12 : vector<1x8192xf32> to vector<512x8192xf32>
    %add3A_14 = arith.addf %sub3A_9, %add3A_13 : vector<512x8192xf32>
    %slice3A = vector.extract_strided_slice %add3A_14 {offsets = [0, 0], sizes = [512, 2048], strides = [1, 1]} : vector<512x8192xf32> to vector<512x2048xf32>
    %reduce_min3A = arith.constant dense<0x7F800000> : vector<512xf32>
    %reduce_min3A_15 = vector.multi_reduction <minimumf>, %slice3A, %reduce_min3A [1] : vector<512x2048xf32> to vector<512xf32>
    %get3A_16 = arith.constant 0 : index
    %get3A_17 = arith.constant 0 : index
    %get3A_18 = vector.load %arg5[%get3A_16, %get3A_17] : memref<1x8192xf32, #tpu.memory_space<vmem>>, vector<1x2048xf32>
    %broadcast_in_dim3A = vector.shape_cast %reduce_min3A_15 : vector<512xf32> to vector<512x1xf32>
    %eq3A = vector.broadcast %broadcast_in_dim3A : vector<512x1xf32> to vector<512x2048xf32>
    %eq3A_19 = arith.cmpf oeq, %slice3A, %eq3A : vector<512x2048xf32>
    %jit3A = arith.constant 1.638400e+04 : f32
    %broadcast_in_dim3A_20 = vector.shape_cast %get3A_18 : vector<1x2048xf32> to vector<1x2048xf32>
    %broadcast_in_dim3A_21 = vector.broadcast %broadcast_in_dim3A_20 : vector<1x2048xf32> to vector<512x2048xf32>
    %broadcast_in_dim3A_22 = vector.broadcast %jit3A : f32 to vector<512x2048xf32>
    %select_n3A = arith.select %eq3A_19, %broadcast_in_dim3A_21, %broadcast_in_dim3A_22 : vector<512x2048xi1>, vector<512x2048xf32>
    %reduce_min3A_23 = arith.constant dense<0x7F800000> : vector<512xf32>
    %reduce_min3A_24 = vector.multi_reduction <minimumf>, %select_n3A, %reduce_min3A_23 [1] : vector<512x2048xf32> to vector<512xf32>
    %convert_element_type3A = arith.truncf %reduce_min3A_15 : vector<512xf32> to vector<512xbf16>
    %convert_element_type3A_25 = arith.extf %convert_element_type3A : vector<512xbf16> to vector<512xf32>
    %slice3A_26 = vector.extract_strided_slice %add3A_14 {offsets = [0, 2048], sizes = [512, 2048], strides = [1, 1]} : vector<512x8192xf32> to vector<512x2048xf32>
    %reduce_min3A_27 = arith.constant dense<0x7F800000> : vector<512xf32>
    %reduce_min3A_28 = vector.multi_reduction <minimumf>, %slice3A_26, %reduce_min3A_27 [1] : vector<512x2048xf32> to vector<512xf32>
    %get3A_29 = arith.constant 0 : index
    %get3A_30 = arith.constant 2048 : index
    %get3A_31 = vector.load %arg5[%get3A_29, %get3A_30] : memref<1x8192xf32, #tpu.memory_space<vmem>>, vector<1x2048xf32>
    %broadcast_in_dim3A_32 = vector.shape_cast %reduce_min3A_28 : vector<512xf32> to vector<512x1xf32>
    %eq3A_33 = vector.broadcast %broadcast_in_dim3A_32 : vector<512x1xf32> to vector<512x2048xf32>
    %eq3A_34 = arith.cmpf oeq, %slice3A_26, %eq3A_33 : vector<512x2048xf32>
    %jit3A_35 = arith.constant 1.638400e+04 : f32
    %broadcast_in_dim3A_36 = vector.shape_cast %get3A_31 : vector<1x2048xf32> to vector<1x2048xf32>
    %broadcast_in_dim3A_37 = vector.broadcast %broadcast_in_dim3A_36 : vector<1x2048xf32> to vector<512x2048xf32>
    %broadcast_in_dim3A_38 = vector.broadcast %jit3A_35 : f32 to vector<512x2048xf32>
    %select_n3A_39 = arith.select %eq3A_34, %broadcast_in_dim3A_37, %broadcast_in_dim3A_38 : vector<512x2048xi1>, vector<512x2048xf32>
    %reduce_min3A_40 = arith.constant dense<0x7F800000> : vector<512xf32>
    %reduce_min3A_41 = vector.multi_reduction <minimumf>, %select_n3A_39, %reduce_min3A_40 [1] : vector<512x2048xf32> to vector<512xf32>
    %lt3A = arith.cmpf olt, %reduce_min3A_28, %convert_element_type3A_25 : vector<512xf32>
    %eq3A_42 = arith.cmpf oeq, %reduce_min3A_28, %convert_element_type3A_25 : vector<512xf32>
    %lt3A_43 = arith.cmpf olt, %reduce_min3A_41, %reduce_min3A_24 : vector<512xf32>
    %and3A = arith.andi %eq3A_42, %lt3A_43 : vector<512xi1>
    %or3A = arith.ori %lt3A, %and3A : vector<512xi1>
    %select_n3A_44 = arith.select %or3A, %reduce_min3A_28, %convert_element_type3A_25 : vector<512xi1>, vector<512xf32>
    %convert_element_type3A_45 = arith.truncf %select_n3A_44 : vector<512xf32> to vector<512xbf16>
    %convert_element_type3A_46 = arith.extf %convert_element_type3A_45 : vector<512xbf16> to vector<512xf32>
    %select_n3A_47 = arith.select %or3A, %reduce_min3A_41, %reduce_min3A_24 : vector<512xi1>, vector<512xf32>
    %slice3A_48 = vector.extract_strided_slice %add3A_14 {offsets = [0, 4096], sizes = [512, 2048], strides = [1, 1]} : vector<512x8192xf32> to vector<512x2048xf32>
    %reduce_min3A_49 = arith.constant dense<0x7F800000> : vector<512xf32>
    %reduce_min3A_50 = vector.multi_reduction <minimumf>, %slice3A_48, %reduce_min3A_49 [1] : vector<512x2048xf32> to vector<512xf32>
    %get3A_51 = arith.constant 0 : index
    %get3A_52 = arith.constant 4096 : index
    %get3A_53 = vector.load %arg5[%get3A_51, %get3A_52] : memref<1x8192xf32, #tpu.memory_space<vmem>>, vector<1x2048xf32>
    %broadcast_in_dim3A_54 = vector.shape_cast %reduce_min3A_50 : vector<512xf32> to vector<512x1xf32>
    %eq3A_55 = vector.broadcast %broadcast_in_dim3A_54 : vector<512x1xf32> to vector<512x2048xf32>
    %eq3A_56 = arith.cmpf oeq, %slice3A_48, %eq3A_55 : vector<512x2048xf32>
    %jit3A_57 = arith.constant 1.638400e+04 : f32
    %broadcast_in_dim3A_58 = vector.shape_cast %get3A_53 : vector<1x2048xf32> to vector<1x2048xf32>
    %broadcast_in_dim3A_59 = vector.broadcast %broadcast_in_dim3A_58 : vector<1x2048xf32> to vector<512x2048xf32>
    %broadcast_in_dim3A_60 = vector.broadcast %jit3A_57 : f32 to vector<512x2048xf32>
    %select_n3A_61 = arith.select %eq3A_56, %broadcast_in_dim3A_59, %broadcast_in_dim3A_60 : vector<512x2048xi1>, vector<512x2048xf32>
    %reduce_min3A_62 = arith.constant dense<0x7F800000> : vector<512xf32>
    %reduce_min3A_63 = vector.multi_reduction <minimumf>, %select_n3A_61, %reduce_min3A_62 [1] : vector<512x2048xf32> to vector<512xf32>
    %lt3A_64 = arith.cmpf olt, %reduce_min3A_50, %convert_element_type3A_46 : vector<512xf32>
    %eq3A_65 = arith.cmpf oeq, %reduce_min3A_50, %convert_element_type3A_46 : vector<512xf32>
    %lt3A_66 = arith.cmpf olt, %reduce_min3A_63, %select_n3A_47 : vector<512xf32>
    %and3A_67 = arith.andi %eq3A_65, %lt3A_66 : vector<512xi1>
    %or3A_68 = arith.ori %lt3A_64, %and3A_67 : vector<512xi1>
    %select_n3A_69 = arith.select %or3A_68, %reduce_min3A_50, %convert_element_type3A_46 : vector<512xi1>, vector<512xf32>
    %convert_element_type3A_70 = arith.truncf %select_n3A_69 : vector<512xf32> to vector<512xbf16>
    %convert_element_type3A_71 = arith.extf %convert_element_type3A_70 : vector<512xbf16> to vector<512xf32>
    %select_n3A_72 = arith.select %or3A_68, %reduce_min3A_63, %select_n3A_47 : vector<512xi1>, vector<512xf32>
    %slice3A_73 = vector.extract_strided_slice %add3A_14 {offsets = [0, 6144], sizes = [512, 2048], strides = [1, 1]} : vector<512x8192xf32> to vector<512x2048xf32>
    %reduce_min3A_74 = arith.constant dense<0x7F800000> : vector<512xf32>
    %reduce_min3A_75 = vector.multi_reduction <minimumf>, %slice3A_73, %reduce_min3A_74 [1] : vector<512x2048xf32> to vector<512xf32>
    %get3A_76 = arith.constant 0 : index
    %get3A_77 = arith.constant 6144 : index
    %get3A_78 = vector.load %arg5[%get3A_76, %get3A_77] : memref<1x8192xf32, #tpu.memory_space<vmem>>, vector<1x2048xf32>
    %broadcast_in_dim3A_79 = vector.shape_cast %reduce_min3A_75 : vector<512xf32> to vector<512x1xf32>
    %eq3A_80 = vector.broadcast %broadcast_in_dim3A_79 : vector<512x1xf32> to vector<512x2048xf32>
    %eq3A_81 = arith.cmpf oeq, %slice3A_73, %eq3A_80 : vector<512x2048xf32>
    %jit3A_82 = arith.constant 1.638400e+04 : f32
    %broadcast_in_dim3A_83 = vector.shape_cast %get3A_78 : vector<1x2048xf32> to vector<1x2048xf32>
    %broadcast_in_dim3A_84 = vector.broadcast %broadcast_in_dim3A_83 : vector<1x2048xf32> to vector<512x2048xf32>
    %broadcast_in_dim3A_85 = vector.broadcast %jit3A_82 : f32 to vector<512x2048xf32>
    %select_n3A_86 = arith.select %eq3A_81, %broadcast_in_dim3A_84, %broadcast_in_dim3A_85 : vector<512x2048xi1>, vector<512x2048xf32>
    %reduce_min3A_87 = arith.constant dense<0x7F800000> : vector<512xf32>
    %reduce_min3A_88 = vector.multi_reduction <minimumf>, %select_n3A_86, %reduce_min3A_87 [1] : vector<512x2048xf32> to vector<512xf32>
    %lt3A_89 = arith.cmpf olt, %reduce_min3A_75, %convert_element_type3A_71 : vector<512xf32>
    %eq3A_90 = arith.cmpf oeq, %reduce_min3A_75, %convert_element_type3A_71 : vector<512xf32>
    %lt3A_91 = arith.cmpf olt, %reduce_min3A_88, %select_n3A_72 : vector<512xf32>
    %and3A_92 = arith.andi %eq3A_90, %lt3A_91 : vector<512xi1>
    %or3A_93 = arith.ori %lt3A_89, %and3A_92 : vector<512xi1>
    %select_n3A_94 = arith.select %or3A_93, %reduce_min3A_88, %select_n3A_72 : vector<512xi1>, vector<512xf32>
    %convert_element_type3A_95 = arith.fptosi %select_n3A_94 : vector<512xf32> to vector<512xi32>
    %swap3A = arith.constant 0 : index
    %swap3A_96 = vector.load %arg6[%swap3A] : memref<512xi32, #tpu.memory_space<vmem>>, vector<512xi32>
    tpu.vector_store %arg6[%swap3A], %convert_element_type3A_95 {strides = array<i32>} : memref<512xi32, #tpu.memory_space<vmem>>, vector<512xi32>,
    return
  }
  func.func @transform_0(%arg0: i32) -> (i32, i32) {
    %c0_i32 = arith.constant 0 : i32
    %c0_i32_0 = arith.constant 0 : i32
    return %arg0, %c0_i32 : i32, i32
  }
  func.func @transform_1(%arg0: i32) -> (i32, i32) {
    %c0_i32 = arith.constant 0 : i32
    %c0_i32_0 = arith.constant 0 : i32
    %c0_i32_1 = arith.constant 0 : i32
    return %c0_i32, %c0_i32_0 : i32, i32
  }
  func.func @transform_2(%arg0: i32) -> (i32, i32) {
    %c0_i32 = arith.constant 0 : i32
    %c0_i32_0 = arith.constant 0 : i32
    return %arg0, %c0_i32 : i32, i32
  }
  func.func @transform_3(%arg0: i32) -> (i32, i32) {
    %c0_i32 = arith.constant 0 : i32
    %c0_i32_0 = arith.constant 0 : i32
    %c0_i32_1 = arith.constant 0 : i32
    return %c0_i32, %c0_i32_0 : i32, i32
  }
  func.func @transform_4(%arg0: i32) -> (i32, i32) {
    %c0_i32 = arith.constant 0 : i32
    %c0_i32_0 = arith.constant 0 : i32
    %c0_i32_1 = arith.constant 0 : i32
    return %c0_i32, %c0_i32_0 : i32, i32
  }
  func.func @transform_5(%arg0: i32) -> i32 {
    %c0_i32 = arith.constant 0 : i32
    return %arg0 : i32
  }
}

module attributes {stable_mosaic.version = 14 : i64} {
  func.func @_finalize_body(%arg0: memref<8192x32xf32, #tpu.memory_space<vmem>>, %arg1: memref<8192x32xf32, #tpu.memory_space<vmem>>, %arg2: memref<32x8192xf32, #tpu.memory_space<vmem>>, %arg3: memref<8192x32xf32, #tpu.memory_space<vmem>>, %arg4: memref<1x1xf32, #tpu.memory_space<smem>>, %arg5: memref<1x1xf32, #tpu.memory_space<smem>>) attributes {dimension_semantics = [], scalar_prefetch = 0 : i64, scratch_operands = 0 : i64, tpu.core_type = #tpu.core_type<tc>} {
    %get3A = arith.constant 0 : index
    %get3A_0 = arith.constant 0 : index
    %get3A_1 = vector.load %arg0[%get3A, %get3A_0] : memref<8192x32xf32, #tpu.memory_space<vmem>>, vector<8192x32xf32>
    %get3A_2 = arith.constant 0 : index
    %get3A_3 = arith.constant 0 : index
    %get3A_4 = vector.load %arg1[%get3A_2, %get3A_3] : memref<8192x32xf32, #tpu.memory_space<vmem>>, vector<8192x32xf32>
    %sub3A = arith.subf %get3A_4, %get3A_1 : vector<8192x32xf32>
    %add3A = arith.addf %get3A_1, %sub3A : vector<8192x32xf32>
    %swap3A = arith.constant 0 : index
    %swap3A_5 = arith.constant 0 : index
    %swap3A_6 = vector.load %arg3[%swap3A, %swap3A_5] : memref<8192x32xf32, #tpu.memory_space<vmem>>, vector<8192x32xf32>
    tpu.vector_store %arg3[%swap3A, %swap3A_5], %add3A {strides = array<i32>} : memref<8192x32xf32, #tpu.memory_space<vmem>>, vector<8192x32xf32>,
    %sub3A_7 = arith.subf %get3A_4, %get3A_1 : vector<8192x32xf32>
    %mul3A = arith.mulf %sub3A_7, %sub3A_7 : vector<8192x32xf32>
    %reduce_sum3A = vector.shape_cast %mul3A : vector<8192x32xf32> to vector<1x8192x32xf32>
    %reduce_sum3A_8 = arith.constant dense<0.000000e+00> : vector<1xf32>
    %reduce_sum3A_9 = vector.multi_reduction <add>, %reduce_sum3A, %reduce_sum3A_8 [1, 2] : vector<1x8192x32xf32> to vector<1xf32>
    %reduce_sum3A_10 = vector.shape_cast %reduce_sum3A_9 : vector<1xf32> to vector<1x1x1xf32>
    %reduce_sum3A_11 = vector.extract %reduce_sum3A_10[0, 0, 0] : f32 from vector<1x1x1xf32>
    %div3A = arith.constant 2.621440e+05 : f32
    %div3A_12 = arith.divf %reduce_sum3A_11, %div3A : f32
    %mul3A_13 = arith.constant 2.500000e-01 : f32
    %mul3A_14 = arith.mulf %mul3A_13, %div3A_12 : f32
    %swap3A_15 = arith.constant 0 : index
    %swap3A_16 = arith.constant 0 : index
    %swap3A_17 = memref.load %arg4[%swap3A_15, %swap3A_16] : memref<1x1xf32, #tpu.memory_space<smem>>
    memref.store %mul3A_14, %arg4[%swap3A_15, %swap3A_16] : memref<1x1xf32, #tpu.memory_space<smem>>
    %get3A_18 = arith.constant 0 : index
    %get3A_19 = arith.constant 0 : index
    %get3A_20 = vector.load %arg2[%get3A_18, %get3A_19] : memref<32x8192xf32, #tpu.memory_space<vmem>>, vector<32x8192xf32>
    %reduce_sum3A_21 = arith.constant dense<0.000000e+00> : vector<8192xf32>
    %reduce_sum3A_22 = vector.multi_reduction <add>, %get3A_20, %reduce_sum3A_21 [0] : vector<32x8192xf32> to vector<8192xf32>
    %mul3A_23 = arith.constant 1.22070313E-4 : f32
    %mul3A_24 = vector.broadcast %mul3A_23 : f32 to vector<8192xf32>
    %mul3A_25 = arith.mulf %reduce_sum3A_22, %mul3A_24 : vector<8192xf32>
    %add3A_26 = arith.constant 1.000000e-10 : f32
    %add3A_27 = vector.broadcast %add3A_26 : f32 to vector<8192xf32>
    %add3A_28 = arith.addf %mul3A_25, %add3A_27 : vector<8192xf32>
    %log3A = math.log %add3A_28 : vector<8192xf32>
    %mul3A_29 = arith.mulf %mul3A_25, %log3A : vector<8192xf32>
    %reduce_sum3A_30 = vector.shape_cast %mul3A_29 : vector<8192xf32> to vector<1x8192xf32>
    %reduce_sum3A_31 = arith.constant dense<0.000000e+00> : vector<1xf32>
    %reduce_sum3A_32 = vector.multi_reduction <add>, %reduce_sum3A_30, %reduce_sum3A_31 [1] : vector<1x8192xf32> to vector<1xf32>
    %reduce_sum3A_33 = vector.shape_cast %reduce_sum3A_32 : vector<1xf32> to vector<1x1xf32>
    %reduce_sum3A_34 = vector.extract %reduce_sum3A_33[0, 0] : f32 from vector<1x1xf32>
    %neg3A = arith.constant 0.000000e+00 : f32
    %neg3A_35 = arith.subf %neg3A, %reduce_sum3A_34 : f32
    %exp3A = math.exp %neg3A_35 : f32
    %swap3A_36 = arith.constant 0 : index
    %swap3A_37 = arith.constant 0 : index
    %swap3A_38 = memref.load %arg5[%swap3A_36, %swap3A_37] : memref<1x1xf32, #tpu.memory_space<smem>>
    memref.store %exp3A, %arg5[%swap3A_36, %swap3A_37] : memref<1x1xf32, #tpu.memory_space<smem>>
    return
  }
}

</mosaic_0001>

<sc_bundles>
// kernel: kernel.5.cloned.1.call-start
scs
__scs_entry_jumppad:
0x0: {  	(pc) =	sbr.rel $0x88, $3  }
0x1: {  	(tag) =	ssettag $0x0;
	lr =	simm.s32 $0x1  }
0x2: {  	[smem:$0x3F9F] =	sst lr;
	_ =	strace $0xD0000000  }
0x3: {  	_ = 	snop  }
0x4: {  	_ = 	snop  }
0x5: {  	_ = 	snop  }
0x6: {  	_ = 	snop  }
0x7: {  	_ = 	snop  }
__scs_overlays_trampoline_lowered:
0x8: {  	[smem:$0x3FAE] =	sst s0  }
0x9: {  	[smem:$0x3FAF] =	sst s1  }
0xa: {  	[smem:$0x3FB0] =	sst s2  }
0xb: {  	[smem:$0x3FB1] =	sst s3  }
0xc: {  	[smem:$0x3FB2] =	sst s4  }
0xd: {  	[smem:$0x3FB3] =	sst s5  }
0xe: {  	[smem:$0x3FB4] =	sst s6  }
0xf: {  	[smem:$0x3FB5] =	sst s7  }
0x10: {  	[smem:$0x3FB6] =	sst s8  }
0x11: {  	[smem:$0x3FB7] =	sst s9;
	s0 =	simm.s32 @!p0 $0x0  }
0x12: {  	s1 =	sld [smem:$0x3F9D];
	s0 =	simm.s32 @p0 $0x1  }
0x13: {  	[smem:$0x3FB8] =	sst s0;
	s0 =	simm.s32 @!p1 $0x0  }
0x14: {  	s2 =	sld [smem:$0x3F9C];
	s0 =	simm.s32 @p1 $0x1  }
0x15: {  	[smem:$0x3FB9] =	sst s0;
	s0 =	simm.s32 @!p2 $0x0  }
0x16: {  	s3 =	sld [smem:$0x3FDB];
	s0 =	simm.s32 @p2 $0x1  }
0x17: {  	s4 =	simm.s32 $0x1BF5;
	[smem:$0x3FBB] =	sst s0  }
0x18: {  	s0 =	sld [smem:$0x3F9E];
	_ =	swait.ge [sflag:s4], $0x0  }
0x19: {  	s7 =	sld [smem:$0x3F9F]  }
0x1a: {  	s8 =	sadd.s32 $0xFFFFE003, lr  }
0x1b: {  	s9 =	sadd.s32 $0xFFFFFEF7, lr;
	s5 =	simm.s32 $0xFFFFFFFF;
	p2 =	slt.u32 s8, $0xFFFFF086  }
0x1c: {  	p1 =	slt.u32 s9, $0xF7A;
	s5 =	simm.s32 @!p2 $0x0  }
0x1d: {  	s5 =	simm.s32 @p1 $0x1;
	p0 =	seq.s32 s7, s2  }
0x1e: {  	s7 =	smul.u32 @!p0 $0xF7A, s2;
	p2 =	seq.s32 @!p0 s5, $0x0  }
0x1f: {  	s9 =	smul.u32 $0xF7A, s1;
	s8 =	simm.s32 @!p0 $0x1BF5;
	p2 =	por !p2, p0  }
0x20: {  	[sflag:s8] =	ssyncset.s32 @!p0 $0xFFFFF086;
	s6 =	sadd.s32 @!p0 s3, s7;
	s7 =	simm.s32 @!p0 $0x108  }
0x21: {  	s3 =	sadd.s32 s3, s9;
	s6 =	sadd.s32 @!p0 $0x88, s6;
	s7 =	simm.s32 @p2 $0x1082  }
0x22: {  	[simem:s7], [sflag:s8] =	dma.local @!p0 [hbm:s6], $0xF7A  }
0x23: {  	s9 =	sor.u32 $0xD0000000, s2;
	s6 =	simm.s32 $0x108;
	_ =	swait.ge @!p0 [sflag:s8], $0x0  }
0x24: {  	s3 =	sadd.s32 $0x88, s3;
	s6 =	simm.s32 @!p1 $0x1082;
	[sflag:s4] =	ssyncset.s32 $0xFFFFF086  }
0x25: {  	[simem:s6], [sflag:s4] =	dma.local [hbm:s3], $0xF7A  }
0x26: {  	[smem:$0x3F9F] =	sst s1;
	(tag) =	ssettag s2;
	_ =	strace s9  }
0x27: {  	s1 =	sld [smem:$0x3FAF]  }
0x28: {  	s2 =	sld [smem:$0x3FB0]  }
0x29: {  	s4 =	sld [smem:$0x3FB2]  }
0x2a: {  	p0 =	seq.s32 s5, $0x0;
	s5 =	sld [smem:$0x3FB3]  }
0x2b: {  	s6 =	sld [smem:$0x3FB4]  }
0x2c: {  	s7 =	sld [smem:$0x3FB5]  }
0x2d: {  	s3 =	simm.s32 $0x108;
	s8 =	sld [smem:$0x3FB6]  }
0x2e: {  	s3 =	simm.s32 @!p0 $0x1082;
	s9 =	sld [smem:$0x3FB7]  }
0x2f: {  	lr =	sadd.s32 s0, s3;
	s0 =	sld [smem:$0x3FAE]  }
0x30: {  	s3 =	sld [smem:$0x3FB1]  }
0x31: {  	[smem:$0x3FBA] =	sst s10  }
0x32: {  	s10 =	sld [smem:$0x3FB8];
	_ =	sdelay $0x3  }
0x33: {  	p0 =	seq.s32 s10, $0x1;
	s10 =	sld [smem:$0x3FBA];
	_ =	sdelay $0x3  }
0x34: {  	[smem:$0x3FBA] =	sst s10  }
0x35: {  	s10 =	sld [smem:$0x3FB9];
	_ =	sdelay $0x3  }
0x36: {  	p1 =	seq.s32 s10, $0x1;
	s10 =	sld [smem:$0x3FBA];
	_ =	sdelay $0x3  }
0x37: {  	[smem:$0x3FBA] =	sst s10  }
0x38: {  	s10 =	sld [smem:$0x3FBB]  }
0x39: {  	_ = 	snop;
	(pc) =	sbr.ind lr, $3  }
0x3a: {  	_ = 	snop  }
0x3b: {  	_ = 	snop  }
0x3c: {  	p2 =	seq.s32 s10, $0x1;
	s10 =	sld [smem:$0x3FBA]  }
0x3d: {  	_ =	shalt  }
0x3e: {  	_ =	shalt  }
0x3f: {  	_ =	shalt  }
0x40: {  	_ =	shalt  }
0x41: {  	_ =	shalt  }
0x42: {  	_ =	shalt  }
0x43: {  	_ =	shalt  }
0x44: {  	_ =	shalt  }
0x45: {  	_ =	shalt  }
0x46: {  	_ =	shalt  }
0x47: {  	_ =	shalt  }
0x48: {  	_ =	shalt  }
0x49: {  	_ =	shalt  }
0x4a: {  	_ =	shalt  }
0x4b: {  	_ =	shalt  }
0x4c: {  	_ =	shalt  }
0x4d: {  	_ =	shalt  }
0x4e: {  	_ =	shalt  }
0x4f: {  	_ =	shalt  }
0x50: {  	_ =	shalt  }
0x51: {  	_ =	shalt  }
0x52: {  	_ =	shalt  }
0x53: {  	_ =	shalt  }
0x54: {  	_ =	shalt  }
0x55: {  	_ =	shalt  }
0x56: {  	_ =	shalt  }
0x57: {  	_ =	shalt  }
0x58: {  	_ =	shalt  }
0x59: {  	_ =	shalt  }
0x5a: {  	_ =	shalt  }
0x5b: {  	_ =	shalt  }
0x5c: {  	_ =	shalt  }
0x5d: {  	_ =	shalt  }
0x5e: {  	_ =	shalt  }
0x5f: {  	_ =	shalt  }
0x60: {  	_ =	shalt  }
0x61: {  	_ =	shalt  }
0x62: {  	_ =	shalt  }
0x63: {  	_ =	shalt  }
0x64: {  	_ =	shalt  }
0x65: {  	_ =	shalt  }
0x66: {  	_ =	shalt  }
0x67: {  	_ =	shalt  }
0x68: {  	_ =	shalt  }
0x69: {  	_ =	shalt  }
0x6a: {  	_ =	shalt  }
0x6b: {  	_ =	shalt  }
0x6c: {  	_ =	shalt  }
0x6d: {  	_ =	shalt  }
0x6e: {  	_ =	shalt  }
0x6f: {  	_ =	shalt  }
0x70: {  	_ =	shalt  }
0x71: {  	_ =	shalt  }
0x72: {  	_ =	shalt  }
0x73: {  	_ =	shalt  }
0x74: {  	_ =	shalt  }
0x75: {  	_ =	shalt  }
0x76: {  	_ =	shalt  }
0x77: {  	_ =	shalt  }
0x78: {  	_ =	shalt  }
0x79: {  	_ =	shalt  }
0x7a: {  	_ =	shalt  }
0x7b: {  	_ =	shalt  }
0x7c: {  	_ =	shalt  }
0x7d: {  	_ =	shalt  }
0x7e: {  	_ =	shalt  }
0x7f: {  	_ =	shalt  }
0x80: {  	_ =	shalt  }
0x81: {  	_ =	shalt  }
0x82: {  	_ =	shalt  }
0x83: {  	_ =	shalt  }
0x84: {  	_ =	shalt  }
0x85: {  	_ =	shalt  }
0x86: {  	_ =	shalt  }
0x87: {  	_ =	shalt  }
.Lfunc_end0:
.L_simem_size_0:
called_computation_lowered:
.L_overlay_start_0:
0x88: {  	s2 =	sld [smem:$0x3FD9]  }
0x89: {  	s3 =	sld [smem:$0x3FFE];
	_ =	sdelay $0x1  }
0x8a: {  	s1 =	srdreg.scid  }
0x8b: {  	s0 =	sand.u32 $0x1, s1  }
0x8c: {  	s14 =	sshll.u32 s0, $0xA;
	s2 =	sadd.s32 s3, s2  }
0x8d: {  	s2 =	sadd.s32 s2, s14  }
0x8e: {  	[smem:$0x3FC6] =	sst s2  }
0x8f: {  	_ = 	snop  }
0x90: {  	s2 =	sld [smem:$0x3FD0];
	_ =	sdelay $0x2  }
0x91: {  	s15 =	simm.s32 $0xA;
	s4 =	simm.s32 $0x10  }
0x92: {  	[smem:s4], [sflag:s15] =	dma.local [hbm:s2], $0x1  }
0x93: {  	_ =	swait.eq [sflag:s15], $0x1  }
0x94: {  	[sflag:s15] =	ssyncset.done $0x0  }
0x95: {  	[sflag:s15] =	ssyncadd.s32 $0xFFFFFFFF  }
0x96: {  	s16 =	sld [smem:$0x10];
	(tm) =	ssettm $0x1  }
0x97: {  	s17 =	sld [smem:$0x3FFB];
	_ =	sdelay $0x3  }
0x98: {  	_ =	strace s17  }
0x99: {  	s3 =	sld [smem:$0x3FFC];
	_ =	sdelay $0x3  }
0x9a: {  	_ =	strace s3  }
0x9b: {  	s3 =	sld [smem:$0x3FFD];
	_ =	sdelay $0x3  }
0x9c: {  	_ =	strace s3  }
0x9d: {  	_ =	strace $0x8FFFFFFF  }
0x9e: {  	s18 =	sld [smem:$0x3FDB];
	_ =	sdelay $0x1  }
0x9f: {  	s19 =	simm.s32 $_scs_section_size  }
0xa0: {  	s5 =	simm.s32 $_size__tile_overlayer_lowered;
	s6 =	simm.s32 $_tile_overlayer_lowered  }
0xa1: {  	s22 =	simm.s32 $0x1BFF;
	s21 =	sshll.u32 s6, $0x1;
	s3 =	sadd.s32 s19, s18  }
0xa2: {  	s7 =	simm.s32 $0x0;
	s20 =	sshll.u32 s5, $0x1;
	s5 =	sadd.s32 s21, s3  }
0xa3: {  	[timem:s7], [sflag:s22] =	dma.local [hbm:s5], s20  }
0xa4: {  	_ =	swait.ge [sflag:s22], s20  }
0xa5: {  	s4 =	ssub.s32 $0x0, s20;
	[sflag:s22] =	ssyncset.done $0x0  }
0xa6: {  	[sflag:s22] =	ssyncadd.s32 s4;
	_ =	sdelay $0x1  }
0xa7: {  	s23 =	simm.s32 $0x1B8B  }
0xa8: {  	_ =	swait.ge [sflag:s23], $0x1  }
0xa9: {  	[sflag:s23] =	ssyncset.done $0x0  }
0xaa: {  	s25 =	simm.s32 $0x1B8E;
	s24 =	sld [smem:$0x3FFE];
	[sflag:s23] =	ssyncadd.s32 $0xFFFFFFFF  }
0xab: {  	s26 =	simm.s32 $execute0_lowered;
	[smem:$0x3FD2] =	sst s25  }
0xac: {  	s5 =	sshll.u32 s26, $0x1;
	_ =	strace $0x80000046;
	[dreg:$0x1] =	wrdreg $0xFFFFFFFF  }
0xad: {  	s28 =	simm.s32 $_size_execute0_lowered;
	s3 =	sadd.s32 s3, s5;
	[dreg:$0x0] =	wrdreg $0x0  }
0xae: {  	s5 =	sshll.u32 s28, $0x1;
	[dreg:$0x2] =	wrdreg s3  }
0xaf: {  	[dreg:$0x3] =	wrdreg s5  }
0xb0: {  	[dreg:$0x4] =	wrdreg $0xC0  }
0xb1: {  	_ =	task [dreg:s7], $0x5FFFF  }
0xb2: {  	[dreg:$0x1] =	wrdreg $0xFFFFFFFF  }
0xb3: {  	[dreg:$0x0] =	wrdreg $0x60  }
0xb4: {  	[dreg:$0x2] =	wrdreg s16  }
0xb5: {  	[dreg:$0x3] =	wrdreg s24  }
0xb6: {  	[dreg:$0x4] =	wrdreg $0x9  }
0xb7: {  	_ =	task.clear_ibuf [dreg:s7], $0x5FFFF;
	_ =	strace $0x90000046  }
0xb8: {  	s29 =	simm.s32 $0x9;
	_ =	strace $0x80000048  }
0xb9: {  	_ =	swait.ge [sflag:s29], $0x1  }
0xba: {  	[sflag:s29] =	ssyncadd.s32 $0xFFFFFFFF  }
0xbb: {  	_ =	strace $0x90000048  }
0xbc: {  	_ =	sfence  }
0xbd: {  	s30 =	sld [smem:$0x0];
	_ =	sdelay $0x2  }
0xbe: {  	s31 =	sshll.u32 s1, $0xD;
	s1 =	sshrl.u32 s1, $0x2  }
0xbf: {  	s3 =	sand.u32 $0x4000, s31;
	s1 =	sadd.s32 s1, s30  }
0xc0: {  	s0 =	sor.u32 s3, s0;
	s1 =	sshll.u32 s1, $0x11  }
0xc1: {  	s0 =	sor.u32 s1, s0  }
0xc2: {  	s0 =	sadd.s32 $0x8F2B, s0  }
0xc3: {  	[sflag:s0] =	ssyncadd.remote.s32 $0x1  }
0xc4: {  	_ =	sfence.sel $0xFFFF  }
0xc5: {  	[dreg:$0x0] =	wrdreg $0xFFFFFFFF;
	(pc) =	sbr.abs _section_cstart, $3  }
0xc6: {  	[dreg:$0x1] =	wrdreg $0xFFFFFFFF  }
0xc7: {  	_ =	task.clear_ibuf [dreg:s7], $0x2FFFF;
	_ =	strace $0x9FFFFFFF  }
0xc8: {  	(tm) =	ssettm $0x7FFFFFFF  }
0xc9: {  	_ =	shalt  }
tec
execute0_lowered:
.L_overlay_start_1:
0x0: {  	(tag) =	ssettag $0x1  }
0x1: {  	s1 =	rddreg [dreg:$0x0]  }
0x2: {  	s4 =	rddreg [dreg:$0x1]  }
0x3: {  	s0 =	rddreg [dreg:$0x2]  }
0x4: {  	s3 =	simm.s32 $0x0;
	s5 =	srdreg.scid;
	s2 =	stileid.u32  }
0x5: {  	s9 =	simm.s32 $0x100;
	s10 =	simm.s32 $0x1;
	s11 =	simm.s32 $0x2100  }
0x6: {  	[smem:$0x7FF] =	sst s3;
	s5 =	sand.u32 $0x1, s5;
	s6 =	sshll.u32 s2, $0x1  }
0x7: {  	s12 =	simm.s32 $0x0;
	_ =	strace $0x80000047;
	s6 =	sor.u32 s5, s6  }
0x8: {  	s5 =	ssub.s32 $0x2, s5;
	s7 =	sshll.u32 s6, $0x5;
	s6 =	sshll.u32 s6, $0xA  }
0x9: {  	s8 =	sshrl.u32 s5, $0x1;
	s7 =	sadd.s32 s7, s4;
	s6 =	sadd.s32 s6, s4  }
0xa: {  	s8 =	ssub.s32 s5, s8;
	s4 =	sadd.s32 $0x400, s7;
	s5 =	sadd.s32 $0x8800, s6  }
0xb: {  	v0 =	vimm.f32 $0.0e+00;
	v1 =	vimm.f32 $1.000000000e+00;
	s6 =	sadd.s32 $0x800, s6;
	s7 =	smax.u32 s8, $0x1;
	s8 =	simm.s32 $0x2  }
.LBB2_1:
0xc: {  	[tilespmem:s3], [sflag:$0x2] =	stream.linear.gather [hbm4b:s4+s3], $0x100, $0x38;
	[tilespmem:$0x4100] =	vst v63  }
0xd: {  	_ =	swait.ge [sflag:s8], $0x100  }
0xe: {  	[sflag:s8] =	ssyncset.done $0x0  }
0xf: {  	[sflag:s8] =	ssyncadd.s32 $0xFFFFFF00  }
0x10: {  	[tilespmem:s9], [sflag:$0x1] =	stream.indirect.gather [hbm4b:s1+s9], $0x20, s3, s9, $0xb8;
	[tilespmem:$0x4100] =	vst v63  }
0x11: {  	_ =	swait.ge [sflag:s10], $0x2000  }
0x12: {  	[sflag:s10] =	ssyncset.done $0x0  }
0x13: {  	[sflag:s10] =	ssyncadd.s32 $0xFFFFE000  }
0x14: {  	[hbm4b:s5+s3] =	stream.linear.scatter [tilespmem:s9], [sflag:$0x2], $0x2000, $0x38;
	[tilespmem:$0x4100] =	vst v63  }
0x15: {  	_ =	swait.ge [sflag:s8], $0x2000  }
0x16: {  	[sflag:s8] =	ssyncset.done $0x0  }
0x17: {  	s13 =	simm.s32 $0x40;
	s14 =	simm.s32 $0x0;
	[sflag:s8] =	ssyncadd.s32 $0xFFFFE000  }
.LBB2_2:
0x18: {  	p0 =	sne.s32 s13, $0x7FC0;
	[tilespmem:s14+$0x2100] =	vst v0;
	s14 =	smov.u32 s13;
	s13 =	sadd.s32 $0x40, s13  }
.Ltmp0:
0x19: {  	(pc) =	sbr.rel @p0 .LBB2_2-.Ltmp0, $2  }
0x1a: {  	_ =	sdelay $0x2  }
0x1b: {  	s14 =	sshra.s32 s14, $0x2  }
0x1c: {  	[tilespmem:s14+$0x2100] =	vst v0  }
0x1d: {  	v2 =	vld [tilespmem:$0x0];
	_ =	sdelay $0x7  }
0x1e: {  	[tilespmem:v2+s11+$0x0] =	vst.idx.add.f32.msk $0xffff, v1  }
0x1f: {  	v2 =	vld [tilespmem:$0x10];
	_ =	sdelay $0x7  }
0x20: {  	[tilespmem:v2+s11+$0x0] =	vst.idx.add.f32.msk $0xffff, v1  }
0x21: {  	v2 =	vld [tilespmem:$0x20];
	_ =	sdelay $0x7  }
0x22: {  	[tilespmem:v2+s11+$0x0] =	vst.idx.add.f32.msk $0xffff, v1  }
0x23: {  	v2 =	vld [tilespmem:$0x30];
	_ =	sdelay $0x7  }
0x24: {  	[tilespmem:v2+s11+$0x0] =	vst.idx.add.f32.msk $0xffff, v1  }
0x25: {  	v2 =	vld [tilespmem:$0x40];
	_ =	sdelay $0x7  }
0x26: {  	[tilespmem:v2+s11+$0x0] =	vst.idx.add.f32.msk $0xffff, v1  }
0x27: {  	v2 =	vld [tilespmem:$0x50];
	_ =	sdelay $0x7  }
0x28: {  	[tilespmem:v2+s11+$0x0] =	vst.idx.add.f32.msk $0xffff, v1  }
0x29: {  	v2 =	vld [tilespmem:$0x60];
	_ =	sdelay $0x7  }
0x2a: {  	[tilespmem:v2+s11+$0x0] =	vst.idx.add.f32.msk $0xffff, v1  }
0x2b: {  	v2 =	vld [tilespmem:$0x70];
	_ =	sdelay $0x7  }
0x2c: {  	[tilespmem:v2+s11+$0x0] =	vst.idx.add.f32.msk $0xffff, v1  }
0x2d: {  	v2 =	vld [tilespmem:$0x80];
	_ =	sdelay $0x7  }
0x2e: {  	[tilespmem:v2+s11+$0x0] =	vst.idx.add.f32.msk $0xffff, v1  }
0x2f: {  	v2 =	vld [tilespmem:$0x90];
	_ =	sdelay $0x7  }
0x30: {  	[tilespmem:v2+s11+$0x0] =	vst.idx.add.f32.msk $0xffff, v1  }
0x31: {  	v2 =	vld [tilespmem:$0xA0];
	_ =	sdelay $0x7  }
0x32: {  	[tilespmem:v2+s11+$0x0] =	vst.idx.add.f32.msk $0xffff, v1  }
0x33: {  	v2 =	vld [tilespmem:$0xB0];
	_ =	sdelay $0x7  }
0x34: {  	[tilespmem:v2+s11+$0x0] =	vst.idx.add.f32.msk $0xffff, v1  }
0x35: {  	v2 =	vld [tilespmem:$0xC0];
	_ =	sdelay $0x7  }
0x36: {  	[tilespmem:v2+s11+$0x0] =	vst.idx.add.f32.msk $0xffff, v1  }
0x37: {  	v2 =	vld [tilespmem:$0xD0];
	_ =	sdelay $0x7  }
0x38: {  	[tilespmem:v2+s11+$0x0] =	vst.idx.add.f32.msk $0xffff, v1  }
0x39: {  	v2 =	vld [tilespmem:$0xE0];
	_ =	sdelay $0x7  }
0x3a: {  	[tilespmem:v2+s11+$0x0] =	vst.idx.add.f32.msk $0xffff, v1  }
0x3b: {  	v2 =	vld [tilespmem:$0xF0];
	_ =	sdelay $0x5  }
0x3c: {  	s12 =	sadd.s32 $0x1, s12  }
0x3d: {  	p0 =	sne.s32 s12, s7  }
.Ltmp1:
0x3e: {  	[tilespmem:v2+s11+$0x0] =	vst.idx.add.f32.msk $0xffff, v1;
	(pc) =	sbr.rel @p0 .LBB2_1-.Ltmp1, $4  }
0x3f: {  	[hbm4b:s6+s3] =	stream.linear.scatter [tilespmem:s11], [sflag:$0x2], $0x2000, $0x38;
	[tilespmem:$0x4100] =	vst v63  }
0x40: {  	_ =	swait.ge [sflag:s8], $0x2000  }
0x41: {  	[sflag:s8] =	ssyncset.done $0x0  }
0x42: {  	[sflag:s8] =	ssyncadd.s32 $0xFFFFE000  }
0x43: {  	_ =	sfence.sel $0x180000  }
0x44: {  	[bflag:$0x0] =	sbarrier.arrive $0xFFFF  }
0x45: {  	p0 =	sne.s32 s2, $0x0;
	_ =	strace $0x90000047  }
0x46: {  	s0 =	sadd.s32 @!p0 $0x100000, s0;
	[bflag:$0x2] =	sbarrier.arrive $0xFFFF  }
0x47: {  	[sflag:s0] =	ssyncadd.tile.s32 @!p0 $0x1;
	_ =	shalt  }
.Lfunc_end2:
_tile_overlayer_lowered:
.L_overlay_start_2:
0x48: {  	(tag) =	ssettag $0x2  }
0x49: {  	s0 =	rddreg [dreg:$0x0];
	s2 =	stileid.u32  }
0x4a: {  	s1 =	rddreg [dreg:$0x1];
	p0 =	sne.s32 s2, $0x0  }
0x4b: {  	s3 =	rddreg [dreg:$0x2];
	[bflag:$0x3] =	sbarrier.arrive $0xFFFF;
	s2 =	simm.s32 @!p0 $0x1C02  }
0x4c: {  	[timem:s3], [sflag:s2] =	dma.local @!p0 [hbm:s0], s1  }
0x4d: {  	s0 =	simm.s32 @!p0 $0x2  }
0x4e: {  	_ =	swait.ge @!p0 [sflag:s0], s1  }
0x4f: {  	s1 =	ssub.s32 @!p0 $0x0, s1;
	[sflag:s0] =	ssyncset.done @!p0 $0x0  }
0x50: {  	[sflag:s0] =	ssyncadd.s32 @!p0 s1  }
0x51: {  	[bflag:$0x3] =	sbarrier.arrive $0xFFFF  }
0x52: {  	_ =	shalt  }

</sc_bundles>
